<compile_context>
chip_gen: v7x
topology: tpu7x:2x2x1
jax: 0.10.2.dev20260603
libtpu: 0.0.44.dev20260713+nightly
codegen_flags: <defaults>
</compile_context>

<pallas_src>
import functools

import jax
import jax.numpy as jnp
from jax import lax
from jax.experimental import pallas as pl
from jax.experimental.pallas import tpu as pltpu
from jax.experimental.pallas import tpu_sc as plsc

_K = 64
_NCLUS = 8
_TEMP = 0.1
_BN_EPS = 1e-5
_TQ = 512


def _proj_kernel(f_ref, wc_ref, gamma_ref, beta_ref, mtail_ref,
                 feats_ref, qn_ref, mn_ref):
    x = jax.lax.dot_general(f_ref[...], wc_ref[...], (((1,), (1,)), ((), ())),
                            preferred_element_type=jnp.float32)
    mean = jnp.mean(x, axis=0, keepdims=True)
    var = jnp.mean((x - mean) ** 2, axis=0, keepdims=True)
    xn = (x - mean) / jnp.sqrt(var + _BN_EPS)
    feats = jnp.maximum(xn * gamma_ref[...] + beta_ref[...], 0.0)
    feats_ref[...] = feats

    qn = jnp.sum(feats * feats, axis=1, keepdims=True)
    qn_ref[...] = qn

    ones = jnp.ones((1, feats.shape[1]), jnp.float32)
    mn_q = jax.lax.dot_general(ones, feats * feats, (((1,), (1,)), ((), ())),
                               preferred_element_type=jnp.float32)
    mtail = mtail_ref[...]
    mn_t = jax.lax.dot_general(ones, mtail * mtail, (((1,), (1,)), ((), ())),
                               preferred_element_type=jnp.float32)
    mn_ref[...] = jnp.concatenate([mn_q, mn_t], axis=1)


def _density_kernel(q_ref, qn_ref, m_ref, mn_ref, dens_ref):
    prod = jax.lax.dot_general(q_ref[...], m_ref[...], (((1,), (1,)), ((), ())),
                               preferred_element_type=jnp.float32)
    d2 = jnp.maximum(qn_ref[...] + mn_ref[...] - 2.0 * prod, 1e-12)
    tq, mm = d2.shape

    lo = jax.lax.bitcast_convert_type(jnp.min(d2, axis=1, keepdims=True),
                                      jnp.int32)
    hi = jax.lax.bitcast_convert_type(jnp.max(d2, axis=1, keepdims=True),
                                      jnp.int32)

    def body(_, carry):
        lo, hi = carry
        mid = lo + ((hi - lo) >> 1)
        t = jax.lax.bitcast_convert_type(mid, jnp.float32)
        cnt = jnp.sum(jnp.where(d2 <= t, 1.0, 0.0), axis=1, keepdims=True)
        ge = cnt >= float(_K)
        return jnp.where(ge, lo, mid + 1), jnp.where(ge, mid, hi)

    lo, hi = jax.lax.fori_loop(0, 31, body, (lo, hi))
    r2k = jax.lax.bitcast_convert_type(hi, jnp.float32)

    inv_bw2 = 1.0 / jnp.maximum(r2k, 1e-16)
    dens_ref[...] = jnp.sum(jnp.exp(-d2 * inv_bw2), axis=1, keepdims=True)


def _sc_peaks_body(dens_hbm, feats_hbm, cen_hbm, tv_hbm,
                   dens_v, cen_v, tv_v, idx_v, red_v, redi_v, sem, *, base):
    wid = lax.axis_index("s") * 2 + lax.axis_index("c")

    @pl.when(wid == 0)
    def _():
        pltpu.sync_copy(dens_hbm, dens_v)
        hw = dens_hbm.shape[0]
        nv = hw // 16
        lane = lax.iota(jnp.int32, 16)

        def splat_max_f32(x):
            for s in (8, 4, 2, 1):
                red_v[pl.ds(0, 16)] = x
                x = jnp.maximum(x, plsc.load_gather(red_v, [lane ^ s]))
            return x

        def splat_min_i32(x):
            for s in (8, 4, 2, 1):
                redi_v[pl.ds(0, 16)] = x
                x = jnp.minimum(x, plsc.load_gather(redi_v, [lane ^ s]))
            return x

        def round_body(r, carry):
            tv_vec, idx_vec = carry

            def mx_body(v, best):
                return jnp.maximum(best, dens_v[pl.ds(v * 16, 16)])
            best = lax.fori_loop(0, nv, mx_body,
                                 jnp.full((16,), -jnp.inf, jnp.float32))
            m = splat_max_f32(best)

            def ix_body(v, besti):
                x = dens_v[pl.ds(v * 16, 16)]
                gi = lane + v * 16
                return jnp.minimum(besti, jnp.where(x == m, gi,
                                                    jnp.int32(2 ** 30)))
            besti = lax.fori_loop(0, nv, ix_body,
                                  jnp.full((16,), 2 ** 30, jnp.int32))
            idx = splat_min_i32(besti)

            tv_vec = jnp.where(lane == r, m, tv_vec)
            idx_vec = jnp.where(lane == r, idx, idx_vec)
            plsc.store_scatter(dens_v, [idx],
                               jnp.full((16,), -jnp.inf, jnp.float32),
                               mask=lane == 0)
            return tv_vec, idx_vec

        tv_vec, idx_vec = lax.fori_loop(
            0, _NCLUS, round_body,
            (jnp.zeros((16,), jnp.float32), jnp.zeros((16,), jnp.int32)))

        tv_v[...] = tv_vec
        idx_v[...] = idx_vec + base

        pltpu.async_copy(feats_hbm.at[idx_v], cen_v, sem).wait()
        pltpu.sync_copy(cen_v, cen_hbm)
        pltpu.sync_copy(tv_v, tv_hbm)


def _sc_peaks(dens3, feats, base):
    c = feats.shape[1]
    hw = dens3.shape[0]
    mesh = plsc.VectorSubcoreMesh(core_axis_name="c", subcore_axis_name="s")
    fn = pl.kernel(
        functools.partial(_sc_peaks_body, base=base),
        mesh=mesh,
        compiler_params=pltpu.CompilerParams(needs_layout_passes=False),
        out_type=(
            jax.ShapeDtypeStruct((16, c), jnp.float32),
            jax.ShapeDtypeStruct((16,), jnp.float32),
        ),
        scratch_types=[
            pltpu.VMEM((hw,), jnp.float32),
            pltpu.VMEM((16, c), jnp.float32),
            pltpu.VMEM((16,), jnp.float32),
            pltpu.VMEM((16,), jnp.int32),
            pltpu.VMEM((128,), jnp.float32),
            pltpu.VMEM((128,), jnp.int32),
            pltpu.SemaphoreType.DMA,
        ],
    )
    return fn(dens3, feats)


def _semantic_kernel(feats_ref, qn_ref, cen_ref, tv_ref, out_ref):
    cen = cen_ref[0:_NCLUS, :]
    tv = tv_ref[:, 0:_NCLUS]
    priors = tv / (jnp.sum(tv) + 1e-8)

    ones = jnp.ones((1, cen.shape[1]), jnp.float32)
    cn = jax.lax.dot_general(ones, cen * cen, (((1,), (1,)), ((), ())),
                             preferred_element_type=jnp.float32)
    prod = jax.lax.dot_general(feats_ref[...], cen, (((1,), (1,)), ((), ())),
                               preferred_element_type=jnp.float32)
    d2 = jnp.maximum(qn_ref[...] + cn - 2.0 * prod, 1e-12)
    dist = jnp.sqrt(d2)
    logits = -dist / _TEMP
    logits = logits - jnp.max(logits, axis=1, keepdims=True)
    e = jnp.exp(logits)
    soft = e / jnp.sum(e, axis=1, keepdims=True)
    out_ref[...] = jnp.sum(soft * priors, axis=1, keepdims=True)


def kernel(features, Wc, gamma, beta, memory_bank, perm):
    del perm
    b, c, h, w = features.shape
    n = b * h * w
    m_total = memory_bank.shape[0]
    n_tail = m_total - n

    flat = features.reshape(b, c, h * w).transpose(0, 2, 1).reshape(n, c)
    mtail = memory_bank[n:]

    feats, qn, mn = pl.pallas_call(
        _proj_kernel,
        out_shape=(
            jax.ShapeDtypeStruct((n, c), jnp.float32),
            jax.ShapeDtypeStruct((n, 1), jnp.float32),
            jax.ShapeDtypeStruct((1, m_total), jnp.float32),
        ),
    )(flat, Wc, gamma.reshape(1, c), beta.reshape(1, c), mtail)

    m_all = jnp.concatenate([feats, mtail], axis=0)

    grid = n // _TQ
    dens = pl.pallas_call(
        _density_kernel,
        grid=(grid,),
        in_specs=[
            pl.BlockSpec((_TQ, c), lambda i: (i, 0)),
            pl.BlockSpec((_TQ, 1), lambda i: (i, 0)),
            pl.BlockSpec((m_total, c), lambda i: (0, 0)),
            pl.BlockSpec((1, m_total), lambda i: (0, 0)),
        ],
        out_specs=pl.BlockSpec((_TQ, 1), lambda i: (i, 0)),
        out_shape=jax.ShapeDtypeStruct((n, 1), jnp.float32),
        compiler_params=pltpu.CompilerParams(
            vmem_limit_bytes=60000 * 1024),
    )(feats, qn, m_all, mn)

    dens3 = dens.reshape(b, h * w)[b - 1]
    cen16, tv16 = _sc_peaks(dens3, feats, (b - 1) * h * w)

    sem = pl.pallas_call(
        _semantic_kernel,
        out_shape=jax.ShapeDtypeStruct((n, 1), jnp.float32),
    )(feats, qn, cen16, tv16.reshape(1, 16))

    return sem.reshape(b, 1, h, w)

# --- scband reference (transcript-rebuilt; emitter-appended) ---
"""Pipeline reference for scband-online-dpcclus-4956392259735 (READ-ONLY COPY).

The authoritative reference and input builder live on the scoring server;
editing this copy changes nothing except your own understanding.
"""

import jax, jax.numpy as jnp
import numpy as np

FEATURE_DIM = 128
NUM_CLUSTERS = 8
K_NEIGHBORS = 64
ALPHA = 1.0
MEMORY_SIZE = 16384
TEMPERATURE = 0.1

def _cdist(a, b):
    # a: [..., n, d], b: [m, d] -> [..., n, m] euclidean distances (torch.cdist p=2)
    a2 = jnp.sum(a * a, axis=-1, keepdims=True)
    b2 = jnp.sum(b * b, axis=-1)
    d2 = a2 + b2 - 2.0 * jnp.einsum('...nd,md->...nm', a, b)
    return jnp.sqrt(jnp.clip(d2, 1e-12, None))

def setup_inputs(seed: int = 0) -> dict:
    key = jax.random.key(seed)
    k1, k2, k3, k4 = jax.random.split(key, 4)
    features = jax.random.normal(k1, (4, FEATURE_DIM, 32, 32), dtype=jnp.float32)
    Wc = jax.random.normal(k2, (FEATURE_DIM, FEATURE_DIM), dtype=jnp.float32) * (1.0 / np.sqrt(FEATURE_DIM))
    gamma = jnp.ones((FEATURE_DIM,), dtype=jnp.float32)
    beta = jnp.zeros((FEATURE_DIM,), dtype=jnp.float32)
    memory_bank = jax.random.normal(k3, (MEMORY_SIZE, FEATURE_DIM), dtype=jnp.float32)
    # randperm used inside update_memory_bank (training-mode streaming write)
    perm = jax.random.permutation(k4, 4 * 32 * 32)
    return {"features": features, "Wc": Wc, "gamma": gamma, "beta": beta, "memory_bank": memory_bank, "perm": perm}

def _forward(features, Wc, gamma, beta, memory_bank, perm):
    B, C, H, W = features.shape
    # feature_projector: 1x1 conv (no bias) + BatchNorm2d (training: batch stats) + ReLU
    x = jnp.einsum('bchw,oc->bohw', features, Wc)
    mean = jnp.mean(x, axis=(0, 2, 3))
    var = jnp.var(x, axis=(0, 2, 3))
    x = (x - mean[None, :, None, None]) / jnp.sqrt(var[None, :, None, None] + 1e-5)
    x = x * gamma[None, :, None, None] + beta[None, :, None, None]
    proj = jnp.maximum(x, 0.0)
    feats = jnp.transpose(proj.reshape(B, C, H * W), (0, 2, 1))  # [B, HW, C]
    flat = feats.reshape(-1, C)
    # update_memory_bank: write num_samples randomly-permuted rows at ptr=0 (no grad)
    num_samples = min(flat.shape[0], MEMORY_SIZE // 4)
    sampled = jax.lax.stop_gradient(flat[perm[:num_samples]])
    mb = memory_bank.at[0:num_samples].set(sampled)
    # compute_density_knn: kNN adaptive bandwidth density
    dist = _cdist(feats, mb)  # [B, HW, M]
    k = min(K_NEIGHBORS, MEMORY_SIZE)
    neg_knn, _ = jax.lax.top_k(-dist, k)  # k smallest distances
    r_k = -neg_knn[..., -1]
    bw = jnp.clip(ALPHA * r_k, 1e-8, None)
    weights = jnp.exp(-(dist / bw[..., None]) ** 2)
    density = jnp.sum(weights, axis=-1)  # [B, HW]
    # find_density_peaks: torch loop overwrites temp buffers per batch -> only b=B-1 survives
    top_v, top_i = jax.lax.top_k(density[B - 1], NUM_CLUSTERS)
    centers = jax.lax.stop_gradient(feats[B - 1][top_i])
    dens = jax.lax.stop_gradient(top_v)
    # centers.size(0) == num_clusters >= num_clusters branch: reorder by density topk (no grad)
    tv, ti = jax.lax.top_k(dens, NUM_CLUSTERS)
    cluster_centers = centers[ti]
    cluster_densities = dens[ti]
    # compute_semantic_density
    d2 = _cdist(feats, cluster_centers)  # [B, HW, K]
    soft = jax.nn.softmax(-d2 / TEMPERATURE, axis=-1)
    priors = cluster_densities / (jnp.sum(cluster_densities) + 1e-8)
    sem = jnp.sum(soft * priors[None, None, :], axis=-1)
    return sem.reshape(B, 1, H, W)

def reference(features, Wc, gamma, beta, memory_bank, perm):
    return _forward(features, Wc, gamma, beta, memory_bank, perm)

if __name__ == "__main__":
    import jax
    _d = setup_inputs()
    print(jax.jit(kernel)(*tuple(_d.values())))

</pallas_src>

<mosaic_0001>
#map = affine_map<(d0, d1) -> (0)>
#map1 = affine_map<(d0, d1) -> (0, 0)>
module attributes {stable_mosaic.version = 14 : i64} {
  func.func @_sc_peaks_body(%arg0: i32, %arg1: i32, %arg2: memref<1024xf32, #tpu.memory_space<hbm>>, %arg3: memref<4096x128xf32, #tpu.memory_space<hbm>>, %arg4: memref<16x128xf32, #tpu.memory_space<hbm>>, %arg5: memref<16xf32, #tpu.memory_space<hbm>>, %arg6: memref<1024xf32, #tpu.memory_space<vmem>>, %arg7: memref<16x128xf32, #tpu.memory_space<vmem>>, %arg8: memref<16xf32, #tpu.memory_space<vmem>>, %arg9: memref<16xi32, #tpu.memory_space<vmem>>, %arg10: memref<128xf32, #tpu.memory_space<vmem>>, %arg11: memref<128xi32, #tpu.memory_space<vmem>>, %arg12: memref<!tpu.dma_semaphore, #tpu.memory_space<semaphore_mem>>) attributes {dimension_semantics = [#tpu.dimension_semantics<core_parallel>, #tpu.dimension_semantics<subcore_parallel>], iteration_bounds = array<i64: 2, 16>, scalar_prefetch = 0 : i64, scratch_operands = 7 : i64, tpu.core_type = #tpu.core_type<sc_vector_subcore>, window_params = [{transform_indices = #map}, {transform_indices = #map1}, {transform_indices = #map1}, {transform_indices = #map}]} {
    %mul3A = arith.constant 2 : i32
    %mul3A_0 = arith.muli %arg1, %mul3A : i32
    %add3A = arith.addi %mul3A_0, %arg0 : i32
    %eq3A = arith.constant 0 : i32
    %eq3A_1 = arith.cmpi eq, %add3A, %eq3A : i32
    %convert_element_type3A = arith.extui %eq3A_1 : i1 to i32
    %cond3A = arith.constant 0 : i32
    %cond3A_2 = arith.cmpi ne, %convert_element_type3A, %cond3A : i32
    scf.if %cond3A_2 {
      "tpu.region"() ({
        %run_scoped3A = tpu.sem_alloc : memref<!tpu.dma_semaphore, #tpu.memory_space<semaphore_mem>>
        tpu.enqueue_dma source(%arg2 : memref<1024xf32, #tpu.memory_space<hbm>>) target(%arg6 : memref<1024xf32, #tpu.memory_space<vmem>>) target_semaphore(%run_scoped3A : memref<!tpu.dma_semaphore, #tpu.memory_space<semaphore_mem>>)
        tpu.wait_dma2 semaphore(%run_scoped3A : memref<!tpu.dma_semaphore, #tpu.memory_space<semaphore_mem>>) src(%arg2 : memref<1024xf32, #tpu.memory_space<hbm>>) dst(%arg6 : memref<1024xf32, #tpu.memory_space<vmem>>)
        tpu.yield
      }) : () -> ()
      %iota3A = tpu.iota {dimensions = array<i32: 0>} : vector<16xi32>
      %broadcast_in_dim3A = arith.constant 0.000000e+00 : f32
      %broadcast_in_dim3A_3 = vector.broadcast %broadcast_in_dim3A : f32 to vector<16xf32>
      %broadcast_in_dim3A_4 = arith.constant 0 : i32
      %broadcast_in_dim3A_5 = vector.broadcast %broadcast_in_dim3A_4 : i32 to vector<16xi32>
      %scan3A = arith.constant 0 : i32
      %scan3A_6 = arith.constant 8 : i32
      %scan3A_7 = arith.addi %scan3A, %scan3A_6 : i32
      %scan3A_8 = arith.constant 1 : i32
      %scan3A_9:2 = scf.for %scan3A_21 = %scan3A to %scan3A_7 step %scan3A_8 iter_args(%scan3A_22 = %broadcast_in_dim3A_3, %scan3A_23 = %broadcast_in_dim3A_5) -> (vector<16xf32>, vector<16xi32>)  : i32 {
        %broadcast_in_dim3A_24 = arith.constant 0xFF800000 : f32
        %broadcast_in_dim3A_25 = vector.broadcast %broadcast_in_dim3A_24 : f32 to vector<16xf32>
        %scan3A_26 = arith.constant 0 : i32
        %scan3A_27 = arith.constant 64 : i32
        %scan3A_28 = arith.addi %scan3A_26, %scan3A_27 : i32
        %scan3A_29 = arith.constant 1 : i32
        %scan3A_30 = scf.for %scan3A_102 = %scan3A_26 to %scan3A_28 step %scan3A_29 iter_args(%scan3A_103 = %broadcast_in_dim3A_25) -> (vector<16xf32>)  : i32 {
          %mul3A_104 = arith.constant 16 : i32
          %mul3A_105 = arith.muli %scan3A_102, %mul3A_104 : i32
          %get3A = arith.index_cast %mul3A_105 : i32 to index
          %get3A_106 = tpu.vector_load %arg6[%get3A] {strides = array<i32>} : memref<1024xf32, #tpu.memory_space<vmem>>, vector<16xf32>,
          %max3A_107 = arith.maximumf %scan3A_103, %get3A_106 : vector<16xf32>
          scf.yield %max3A_107 : vector<16xf32>
        }
        %scan3A_31 = arith.constant 64 : i32
        %swap3A_32 = arith.constant 0 : index
        %swap3A_33 = tpu.vector_load %arg10[%swap3A_32] {strides = array<i32>} : memref<128xf32, #tpu.memory_space<vmem>>, vector<16xf32>,
        tpu.vector_store %arg10[%swap3A_32], %scan3A_30 {strides = array<i32>} : memref<128xf32, #tpu.memory_space<vmem>>, vector<16xf32>,
        %xor3A = arith.constant 8 : i32
        %xor3A_34 = vector.broadcast %xor3A : i32 to vector<16xi32>
        %xor3A_35 = arith.xori %iota3A, %xor3A_34 : vector<16xi32>
        %gather3A = tpu.vector_load_idx %arg10[%xor3A_35] : memref<128xf32, #tpu.memory_space<vmem>>[vector<16xi32>], vector<16xf32>,
        %max3A = arith.maximumf %scan3A_30, %gather3A : vector<16xf32>
        %swap3A_36 = arith.constant 0 : index
        %swap3A_37 = tpu.vector_load %arg10[%swap3A_36] {strides = array<i32>} : memref<128xf32, #tpu.memory_space<vmem>>, vector<16xf32>,
        tpu.vector_store %arg10[%swap3A_36], %max3A {strides = array<i32>} : memref<128xf32, #tpu.memory_space<vmem>>, vector<16xf32>,
        %xor3A_38 = arith.constant 4 : i32
        %xor3A_39 = vector.broadcast %xor3A_38 : i32 to vector<16xi32>
        %xor3A_40 = arith.xori %iota3A, %xor3A_39 : vector<16xi32>
        %gather3A_41 = tpu.vector_load_idx %arg10[%xor3A_40] : memref<128xf32, #tpu.memory_space<vmem>>[vector<16xi32>], vector<16xf32>,
        %max3A_42 = arith.maximumf %max3A, %gather3A_41 : vector<16xf32>
        %swap3A_43 = arith.constant 0 : index
        %swap3A_44 = tpu.vector_load %arg10[%swap3A_43] {strides = array<i32>} : memref<128xf32, #tpu.memory_space<vmem>>, vector<16xf32>,
        tpu.vector_store %arg10[%swap3A_43], %max3A_42 {strides = array<i32>} : memref<128xf32, #tpu.memory_space<vmem>>, vector<16xf32>,
        %xor3A_45 = arith.constant 2 : i32
        %xor3A_46 = vector.broadcast %xor3A_45 : i32 to vector<16xi32>
        %xor3A_47 = arith.xori %iota3A, %xor3A_46 : vector<16xi32>
        %gather3A_48 = tpu.vector_load_idx %arg10[%xor3A_47] : memref<128xf32, #tpu.memory_space<vmem>>[vector<16xi32>], vector<16xf32>,
        %max3A_49 = arith.maximumf %max3A_42, %gather3A_48 : vector<16xf32>
        %swap3A_50 = arith.constant 0 : index
        %swap3A_51 = tpu.vector_load %arg10[%swap3A_50] {strides = array<i32>} : memref<128xf32, #tpu.memory_space<vmem>>, vector<16xf32>,
        tpu.vector_store %arg10[%swap3A_50], %max3A_49 {strides = array<i32>} : memref<128xf32, #tpu.memory_space<vmem>>, vector<16xf32>,
        %xor3A_52 = arith.constant 1 : i32
        %xor3A_53 = vector.broadcast %xor3A_52 : i32 to vector<16xi32>
        %xor3A_54 = arith.xori %iota3A, %xor3A_53 : vector<16xi32>
        %gather3A_55 = tpu.vector_load_idx %arg10[%xor3A_54] : memref<128xf32, #tpu.memory_space<vmem>>[vector<16xi32>], vector<16xf32>,
        %max3A_56 = arith.maximumf %max3A_49, %gather3A_55 : vector<16xf32>
        %broadcast_in_dim3A_57 = arith.constant 1073741824 : i32
        %broadcast_in_dim3A_58 = vector.broadcast %broadcast_in_dim3A_57 : i32 to vector<16xi32>
        %scan3A_59 = arith.constant 0 : i32
        %scan3A_60 = arith.constant 64 : i32
        %scan3A_61 = arith.addi %scan3A_59, %scan3A_60 : i32
        %scan3A_62 = arith.constant 1 : i32
        %scan3A_63 = scf.for %scan3A_102 = %scan3A_59 to %scan3A_61 step %scan3A_62 iter_args(%scan3A_103 = %broadcast_in_dim3A_58) -> (vector<16xi32>)  : i32 {
          %mul3A_104 = arith.constant 16 : i32
          %mul3A_105 = arith.muli %scan3A_102, %mul3A_104 : i32
          %get3A = arith.index_cast %mul3A_105 : i32 to index
          %get3A_106 = tpu.vector_load %arg6[%get3A] {strides = array<i32>} : memref<1024xf32, #tpu.memory_space<vmem>>, vector<16xf32>,
          %mul3A_107 = arith.constant 16 : i32
          %mul3A_108 = arith.muli %scan3A_102, %mul3A_107 : i32
          %add3A_109 = vector.broadcast %mul3A_108 : i32 to vector<16xi32>
          %add3A_110 = arith.addi %iota3A, %add3A_109 : vector<16xi32>
          %eq3A_111 = arith.cmpf oeq, %get3A_106, %max3A_56 : vector<16xf32>
          %jit3A = arith.constant 1073741824 : i32
          %broadcast_in_dim3A_112 = vector.broadcast %jit3A : i32 to vector<16xi32>
          %select_n3A_113 = arith.select %eq3A_111, %add3A_110, %broadcast_in_dim3A_112 : vector<16xi1>, vector<16xi32>
          %min3A_114 = arith.minsi %scan3A_103, %select_n3A_113 : vector<16xi32>
          scf.yield %min3A_114 : vector<16xi32>
        }
        %scan3A_64 = arith.constant 64 : i32
        %swap3A_65 = arith.constant 0 : index
        %swap3A_66 = tpu.vector_load %arg11[%swap3A_65] {strides = array<i32>} : memref<128xi32, #tpu.memory_space<vmem>>, vector<16xi32>,
        tpu.vector_store %arg11[%swap3A_65], %scan3A_63 {strides = array<i32>} : memref<128xi32, #tpu.memory_space<vmem>>, vector<16xi32>,
        %xor3A_67 = arith.constant 8 : i32
        %xor3A_68 = vector.broadcast %xor3A_67 : i32 to vector<16xi32>
        %xor3A_69 = arith.xori %iota3A, %xor3A_68 : vector<16xi32>
        %gather3A_70 = tpu.vector_load_idx %arg11[%xor3A_69] : memref<128xi32, #tpu.memory_space<vmem>>[vector<16xi32>], vector<16xi32>,
        %min3A = arith.minsi %scan3A_63, %gather3A_70 : vector<16xi32>
        %swap3A_71 = arith.constant 0 : index
        %swap3A_72 = tpu.vector_load %arg11[%swap3A_71] {strides = array<i32>} : memref<128xi32, #tpu.memory_space<vmem>>, vector<16xi32>,
        tpu.vector_store %arg11[%swap3A_71], %min3A {strides = array<i32>} : memref<128xi32, #tpu.memory_space<vmem>>, vector<16xi32>,
        %xor3A_73 = arith.constant 4 : i32
        %xor3A_74 = vector.broadcast %xor3A_73 : i32 to vector<16xi32>
        %xor3A_75 = arith.xori %iota3A, %xor3A_74 : vector<16xi32>
        %gather3A_76 = tpu.vector_load_idx %arg11[%xor3A_75] : memref<128xi32, #tpu.memory_space<vmem>>[vector<16xi32>], vector<16xi32>,
        %min3A_77 = arith.minsi %min3A, %gather3A_76 : vector<16xi32>
        %swap3A_78 = arith.constant 0 : index
        %swap3A_79 = tpu.vector_load %arg11[%swap3A_78] {strides = array<i32>} : memref<128xi32, #tpu.memory_space<vmem>>, vector<16xi32>,
        tpu.vector_store %arg11[%swap3A_78], %min3A_77 {strides = array<i32>} : memref<128xi32, #tpu.memory_space<vmem>>, vector<16xi32>,
        %xor3A_80 = arith.constant 2 : i32
        %xor3A_81 = vector.broadcast %xor3A_80 : i32 to vector<16xi32>
        %xor3A_82 = arith.xori %iota3A, %xor3A_81 : vector<16xi32>
        %gather3A_83 = tpu.vector_load_idx %arg11[%xor3A_82] : memref<128xi32, #tpu.memory_space<vmem>>[vector<16xi32>], vector<16xi32>,
        %min3A_84 = arith.minsi %min3A_77, %gather3A_83 : vector<16xi32>
        %swap3A_85 = arith.constant 0 : index
        %swap3A_86 = tpu.vector_load %arg11[%swap3A_85] {strides = array<i32>} : memref<128xi32, #tpu.memory_space<vmem>>, vector<16xi32>,
        tpu.vector_store %arg11[%swap3A_85], %min3A_84 {strides = array<i32>} : memref<128xi32, #tpu.memory_space<vmem>>, vector<16xi32>,
        %xor3A_87 = arith.constant 1 : i32
        %xor3A_88 = vector.broadcast %xor3A_87 : i32 to vector<16xi32>
        %xor3A_89 = arith.xori %iota3A, %xor3A_88 : vector<16xi32>
        %gather3A_90 = tpu.vector_load_idx %arg11[%xor3A_89] : memref<128xi32, #tpu.memory_space<vmem>>[vector<16xi32>], vector<16xi32>,
        %min3A_91 = arith.minsi %min3A_84, %gather3A_90 : vector<16xi32>
        %eq3A_92 = vector.broadcast %scan3A_21 : i32 to vector<16xi32>
        %eq3A_93 = arith.cmpi eq, %iota3A, %eq3A_92 : vector<16xi32>
        %select_n3A = arith.select %eq3A_93, %max3A_56, %scan3A_22 : vector<16xi1>, vector<16xf32>
        %eq3A_94 = vector.broadcast %scan3A_21 : i32 to vector<16xi32>
        %eq3A_95 = arith.cmpi eq, %iota3A, %eq3A_94 : vector<16xi32>
        %select_n3A_96 = arith.select %eq3A_95, %min3A_91, %scan3A_23 : vector<16xi1>, vector<16xi32>
        %broadcast_in_dim3A_97 = arith.constant 0xFF800000 : f32
        %broadcast_in_dim3A_98 = vector.broadcast %broadcast_in_dim3A_97 : f32 to vector<16xf32>
        %eq3A_99 = arith.constant 0 : i32
        %eq3A_100 = vector.broadcast %eq3A_99 : i32 to vector<16xi32>
        %eq3A_101 = arith.cmpi eq, %iota3A, %eq3A_100 : vector<16xi32>
        tpu.vector_store_idx %arg6[%min3A_91], %broadcast_in_dim3A_98 masked %eq3A_101 : memref<1024xf32, #tpu.memory_space<vmem>>[vector<16xi32>], vector<16xf32>, vector<16xi1>
        scf.yield %select_n3A, %select_n3A_96 : vector<16xf32>, vector<16xi32>
      }
      %scan3A_10 = arith.constant 8 : i32
      %swap3A = arith.constant 0 : index
      %swap3A_11 = tpu.vector_load %arg8[%swap3A] {strides = array<i32>} : memref<16xf32, #tpu.memory_space<vmem>>, vector<16xf32>,
      tpu.vector_store %arg8[%swap3A], %scan3A_9#0 {strides = array<i32>} : memref<16xf32, #tpu.memory_space<vmem>>, vector<16xf32>,
      %add3A_12 = arith.constant 3072 : i32
      %add3A_13 = vector.broadcast %add3A_12 : i32 to vector<16xi32>
      %add3A_14 = arith.addi %scan3A_9#1, %add3A_13 : vector<16xi32>
      %swap3A_15 = arith.constant 0 : index
      %swap3A_16 = tpu.vector_load %arg9[%swap3A_15] {strides = array<i32>} : memref<16xi32, #tpu.memory_space<vmem>>, vector<16xi32>,
      tpu.vector_store %arg9[%swap3A_15], %add3A_14 {strides = array<i32>} : memref<16xi32, #tpu.memory_space<vmem>>, vector<16xi32>,
      %dma_start3A = arith.constant 0 : i32
      %dma_start3A_17 = arith.constant 0 : i32
      %dma_start3A_18 = tpu.memref_slice %arg3[%dma_start3A, %dma_start3A_17] : memref<4096x128xf32, #tpu.memory_space<hbm>> -> memref<4096x128xf32, #tpu.memory_space<hbm>>
      tpu.enqueue_indirect_dma source(%dma_start3A_18 : memref<4096x128xf32, #tpu.memory_space<hbm>>) target(%arg7 : memref<16x128xf32, #tpu.memory_space<vmem>>) offsets(%arg9 : memref<16xi32, #tpu.memory_space<vmem>>) semaphore(%arg12 : memref<!tpu.dma_semaphore, #tpu.memory_space<semaphore_mem>>)
      %dma_wait3A = arith.constant 0 : i32
      %dma_wait3A_19 = arith.constant 0 : i32
      %dma_wait3A_20 = tpu.memref_slice %arg3[%dma_wait3A, %dma_wait3A_19] : memref<4096x128xf32, #tpu.memory_space<hbm>> -> memref<4096x128xf32, #tpu.memory_space<hbm>>
      tpu.wait_indirect_dma semaphore(%arg12 : memref<!tpu.dma_semaphore, #tpu.memory_space<semaphore_mem>>) src(%dma_wait3A_20 : memref<4096x128xf32, #tpu.memory_space<hbm>>) dst(%arg7 : memref<16x128xf32, #tpu.memory_space<vmem>>)
      "tpu.region"() ({
        %run_scoped3A = tpu.sem_alloc : memref<!tpu.dma_semaphore, #tpu.memory_space<semaphore_mem>>
        tpu.enqueue_dma source(%arg7 : memref<16x128xf32, #tpu.memory_space<vmem>>) target(%arg4 : memref<16x128xf32, #tpu.memory_space<hbm>>) target_semaphore(%run_scoped3A : memref<!tpu.dma_semaphore, #tpu.memory_space<semaphore_mem>>)
        tpu.wait_dma2 semaphore(%run_scoped3A : memref<!tpu.dma_semaphore, #tpu.memory_space<semaphore_mem>>) src(%arg7 : memref<16x128xf32, #tpu.memory_space<vmem>>) dst(%arg4 : memref<16x128xf32, #tpu.memory_space<hbm>>)
        tpu.yield
      }) : () -> ()
      "tpu.region"() ({
        %run_scoped3A = tpu.sem_alloc : memref<!tpu.dma_semaphore, #tpu.memory_space<semaphore_mem>>
        tpu.enqueue_dma source(%arg8 : memref<16xf32, #tpu.memory_space<vmem>>) target(%arg5 : memref<16xf32, #tpu.memory_space<hbm>>) target_semaphore(%run_scoped3A : memref<!tpu.dma_semaphore, #tpu.memory_space<semaphore_mem>>)
        tpu.wait_dma2 semaphore(%run_scoped3A : memref<!tpu.dma_semaphore, #tpu.memory_space<semaphore_mem>>) src(%arg8 : memref<16xf32, #tpu.memory_space<vmem>>) dst(%arg5 : memref<16xf32, #tpu.memory_space<hbm>>)
        tpu.yield
      }) : () -> ()
    } else {
    }
    return
  }
}

module attributes {stable_mosaic.version = 14 : i64} {
  func.func @_proj_kernel(%arg0: memref<4096x128xf32, #tpu.memory_space<vmem>>, %arg1: memref<128x128xf32, #tpu.memory_space<vmem>>, %arg2: memref<1x128xf32, #tpu.memory_space<vmem>>, %arg3: memref<1x128xf32, #tpu.memory_space<vmem>>, %arg4: memref<12288x128xf32, #tpu.memory_space<vmem>>, %arg5: memref<4096x128xf32, #tpu.memory_space<vmem>>, %arg6: memref<4096x1xf32, #tpu.memory_space<vmem>>, %arg7: memref<1x16384xf32, #tpu.memory_space<vmem>>) attributes {dimension_semantics = [], scalar_prefetch = 0 : i64, scratch_operands = 0 : i64, tpu.core_type = #tpu.core_type<tc>} {
    %get3A = arith.constant 0 : index
    %get3A_0 = arith.constant 0 : index
    %get3A_1 = vector.load %arg0[%get3A, %get3A_0] : memref<4096x128xf32, #tpu.memory_space<vmem>>, vector<4096x128xf32>
    %get3A_2 = arith.constant 0 : index
    %get3A_3 = arith.constant 0 : index
    %get3A_4 = vector.load %arg1[%get3A_2, %get3A_3] : memref<128x128xf32, #tpu.memory_space<vmem>>, vector<128x128xf32>
    %dot_general3A = arith.constant dense<0.000000e+00> : vector<4096x128xf32>
    %dot_general3A_5 = tpu.matmul %get3A_1, %get3A_4, %dot_general3A {dimension_numbers = #tpu.dot_dimension_numbers<[1], [1], [0], [0], [0, 0, 1, 0], [], []>, transpose_lhs_hint = false} : vector<4096x128xf32>, vector<128x128xf32>, vector<4096x128xf32> -> vector<4096x128xf32>
    %reduce_sum3A = arith.constant dense<0.000000e+00> : vector<128xf32>
    %reduce_sum3A_6 = vector.multi_reduction <add>, %dot_general3A_5, %reduce_sum3A [0] : vector<4096x128xf32> to vector<128xf32>
    %broadcast_in_dim3A = vector.shape_cast %reduce_sum3A_6 : vector<128xf32> to vector<1x128xf32>
    %div3A = arith.constant 4.096000e+03 : f32
    %div3A_7 = vector.broadcast %div3A : f32 to vector<1x128xf32>
    %div3A_8 = arith.divf %broadcast_in_dim3A, %div3A_7 : vector<1x128xf32>
    %sub3A = vector.broadcast %div3A_8 : vector<1x128xf32> to vector<4096x128xf32>
    %sub3A_9 = arith.subf %dot_general3A_5, %sub3A : vector<4096x128xf32>
    %integer_pow3A = arith.mulf %sub3A_9, %sub3A_9 : vector<4096x128xf32>
    %reduce_sum3A_10 = arith.constant dense<0.000000e+00> : vector<128xf32>
    %reduce_sum3A_11 = vector.multi_reduction <add>, %integer_pow3A, %reduce_sum3A_10 [0] : vector<4096x128xf32> to vector<128xf32>
    %broadcast_in_dim3A_12 = vector.shape_cast %reduce_sum3A_11 : vector<128xf32> to vector<1x128xf32>
    %div3A_13 = arith.constant 4.096000e+03 : f32
    %div3A_14 = vector.broadcast %div3A_13 : f32 to vector<1x128xf32>
    %div3A_15 = arith.divf %broadcast_in_dim3A_12, %div3A_14 : vector<1x128xf32>
    %sub3A_16 = vector.broadcast %div3A_8 : vector<1x128xf32> to vector<4096x128xf32>
    %sub3A_17 = arith.subf %dot_general3A_5, %sub3A_16 : vector<4096x128xf32>
    %add3A = arith.constant 9.99999974E-6 : f32
    %add3A_18 = vector.broadcast %add3A : f32 to vector<1x128xf32>
    %add3A_19 = arith.addf %div3A_15, %add3A_18 : vector<1x128xf32>
    %sqrt3A = math.sqrt %add3A_19 : vector<1x128xf32>
    %div3A_20 = vector.broadcast %sqrt3A : vector<1x128xf32> to vector<4096x128xf32>
    %div3A_21 = arith.divf %sub3A_17, %div3A_20 : vector<4096x128xf32>
    %get3A_22 = arith.constant 0 : index
    %get3A_23 = arith.constant 0 : index
    %get3A_24 = vector.load %arg2[%get3A_22, %get3A_23] : memref<1x128xf32, #tpu.memory_space<vmem>>, vector<1x128xf32>
    %mul3A = vector.broadcast %get3A_24 : vector<1x128xf32> to vector<4096x128xf32>
    %mul3A_25 = arith.mulf %div3A_21, %mul3A : vector<4096x128xf32>
    %get3A_26 = arith.constant 0 : index
    %get3A_27 = arith.constant 0 : index
    %get3A_28 = vector.load %arg3[%get3A_26, %get3A_27] : memref<1x128xf32, #tpu.memory_space<vmem>>, vector<1x128xf32>
    %add3A_29 = vector.broadcast %get3A_28 : vector<1x128xf32> to vector<4096x128xf32>
    %add3A_30 = arith.addf %mul3A_25, %add3A_29 : vector<4096x128xf32>
    %max3A = arith.constant 0.000000e+00 : f32
    %max3A_31 = vector.broadcast %max3A : f32 to vector<4096x128xf32>
    %max3A_32 = arith.maximumf %add3A_30, %max3A_31 : vector<4096x128xf32>
    %swap3A = arith.constant 0 : index
    %swap3A_33 = arith.constant 0 : index
    %swap3A_34 = vector.load %arg5[%swap3A, %swap3A_33] : memref<4096x128xf32, #tpu.memory_space<vmem>>, vector<4096x128xf32>
    tpu.vector_store %arg5[%swap3A, %swap3A_33], %max3A_32 {strides = array<i32>} : memref<4096x128xf32, #tpu.memory_space<vmem>>, vector<4096x128xf32>,
    %mul3A_35 = arith.mulf %max3A_32, %max3A_32 : vector<4096x128xf32>
    %reduce_sum3A_36 = arith.constant dense<0.000000e+00> : vector<4096xf32>
    %reduce_sum3A_37 = vector.multi_reduction <add>, %mul3A_35, %reduce_sum3A_36 [1] : vector<4096x128xf32> to vector<4096xf32>
    %broadcast_in_dim3A_38 = vector.shape_cast %reduce_sum3A_37 : vector<4096xf32> to vector<4096x1xf32>
    %swap3A_39 = arith.constant 0 : index
    %swap3A_40 = arith.constant 0 : index
    %swap3A_41 = vector.load %arg6[%swap3A_39, %swap3A_40] : memref<4096x1xf32, #tpu.memory_space<vmem>>, vector<4096x1xf32>
    tpu.vector_store %arg6[%swap3A_39, %swap3A_40], %broadcast_in_dim3A_38 {strides = array<i32>} : memref<4096x1xf32, #tpu.memory_space<vmem>>, vector<4096x1xf32>,
    %broadcast_in_dim3A_42 = arith.constant 1.000000e+00 : f32
    %broadcast_in_dim3A_43 = vector.broadcast %broadcast_in_dim3A_42 : f32 to vector<1x128xf32>
    %mul3A_44 = arith.mulf %max3A_32, %max3A_32 : vector<4096x128xf32>
    %dot_general3A_45 = arith.constant dense<0.000000e+00> : vector<1x4096xf32>
    %dot_general3A_46 = tpu.matmul %broadcast_in_dim3A_43, %mul3A_44, %dot_general3A_45 {dimension_numbers = #tpu.dot_dimension_numbers<[1], [1], [0], [0], [0, 0, 1, 0], [], []>, transpose_lhs_hint = false} : vector<1x128xf32>, vector<4096x128xf32>, vector<1x4096xf32> -> vector<1x4096xf32>
    %get3A_47 = arith.constant 0 : index
    %get3A_48 = arith.constant 0 : index
    %get3A_49 = vector.load %arg4[%get3A_47, %get3A_48] : memref<12288x128xf32, #tpu.memory_space<vmem>>, vector<12288x128xf32>
    %mul3A_50 = arith.mulf %get3A_49, %get3A_49 : vector<12288x128xf32>
    %dot_general3A_51 = arith.constant dense<0.000000e+00> : vector<1x12288xf32>
    %dot_general3A_52 = tpu.matmul %broadcast_in_dim3A_43, %mul3A_50, %dot_general3A_51 {dimension_numbers = #tpu.dot_dimension_numbers<[1], [1], [0], [0], [0, 0, 1, 0], [], []>, transpose_lhs_hint = false} : vector<1x128xf32>, vector<12288x128xf32>, vector<1x12288xf32> -> vector<1x12288xf32>
    %concatenate3A = tpu.concatenate %dot_general3A_46, %dot_general3A_52 in 1 : vector<1x4096xf32>, vector<1x12288xf32> -> vector<1x16384xf32>
    %swap3A_53 = arith.constant 0 : index
    %swap3A_54 = arith.constant 0 : index
    %swap3A_55 = vector.load %arg7[%swap3A_53, %swap3A_54] : memref<1x16384xf32, #tpu.memory_space<vmem>>, vector<1x16384xf32>
    tpu.vector_store %arg7[%swap3A_53, %swap3A_54], %concatenate3A {strides = array<i32>} : memref<1x16384xf32, #tpu.memory_space<vmem>>, vector<1x16384xf32>,
    return
  }
}

module attributes {stable_mosaic.version = 14 : i64} {
  func.func @_density_kernel(%arg0: i32, %arg1: memref<512x128xf32, #tpu.memory_space<vmem>>, %arg2: memref<512x1xf32, #tpu.memory_space<vmem>>, %arg3: memref<16384x128xf32, #tpu.memory_space<vmem>>, %arg4: memref<1x16384xf32, #tpu.memory_space<vmem>>, %arg5: memref<512x1xf32, #tpu.memory_space<vmem>>) attributes {dimension_semantics = [#tpu.dimension_semantics<arbitrary>], iteration_bounds = array<i64: 8>, scalar_prefetch = 0 : i64, scratch_operands = 0 : i64, tpu.core_type = #tpu.core_type<tc>, window_params = [{transform_indices = @transform_0, window_bounds = array<i64: 512, 128>}, {transform_indices = @transform_1, window_bounds = array<i64: 512, 1>}, {pipeline_mode = #tpu.pipeline_mode<synchronous>, transform_indices = @transform_2, window_bounds = array<i64: 16384, 128>}, {pipeline_mode = #tpu.pipeline_mode<synchronous>, transform_indices = @transform_3, window_bounds = array<i64: 1, 16384>}, {transform_indices = @transform_4, window_bounds = array<i64: 512, 1>}]} {
    %get3A = arith.constant 0 : index
    %get3A_0 = arith.constant 0 : index
    %get3A_1 = vector.load %arg1[%get3A, %get3A_0] : memref<512x128xf32, #tpu.memory_space<vmem>>, vector<512x128xf32>
    %get3A_2 = arith.constant 0 : index
    %get3A_3 = arith.constant 0 : index
    %get3A_4 = vector.load %arg3[%get3A_2, %get3A_3] : memref<16384x128xf32, #tpu.memory_space<vmem>>, vector<16384x128xf32>
    %dot_general3A = arith.constant dense<0.000000e+00> : vector<512x16384xf32>
    %dot_general3A_5 = tpu.matmul %get3A_1, %get3A_4, %dot_general3A {dimension_numbers = #tpu.dot_dimension_numbers<[1], [1], [0], [0], [0, 0, 1, 0], [], []>, transpose_lhs_hint = false} : vector<512x128xf32>, vector<16384x128xf32>, vector<512x16384xf32> -> vector<512x16384xf32>
    %get3A_6 = arith.constant 0 : index
    %get3A_7 = arith.constant 0 : index
    %get3A_8 = vector.load %arg2[%get3A_6, %get3A_7] : memref<512x1xf32, #tpu.memory_space<vmem>>, vector<512x1xf32>
    %get3A_9 = arith.constant 0 : index
    %get3A_10 = arith.constant 0 : index
    %get3A_11 = vector.load %arg4[%get3A_9, %get3A_10] : memref<1x16384xf32, #tpu.memory_space<vmem>>, vector<1x16384xf32>
    %add3A = vector.broadcast %get3A_8 : vector<512x1xf32> to vector<512x16384xf32>
    %add3A_12 = vector.broadcast %get3A_11 : vector<1x16384xf32> to vector<512x16384xf32>
    %add3A_13 = arith.addf %add3A, %add3A_12 : vector<512x16384xf32>
    %mul3A = arith.constant 2.000000e+00 : f32
    %mul3A_14 = vector.broadcast %mul3A : f32 to vector<512x16384xf32>
    %mul3A_15 = arith.mulf %mul3A_14, %dot_general3A_5 : vector<512x16384xf32>
    %sub3A = arith.subf %add3A_13, %mul3A_15 : vector<512x16384xf32>
    %max3A = arith.constant 9.99999996E-13 : f32
    %max3A_16 = vector.broadcast %max3A : f32 to vector<512x16384xf32>
    %max3A_17 = arith.maximumf %sub3A, %max3A_16 : vector<512x16384xf32>
    %reduce_min3A = arith.constant dense<0x7F800000> : vector<512xf32>
    %reduce_min3A_18 = vector.multi_reduction <minimumf>, %max3A_17, %reduce_min3A [1] : vector<512x16384xf32> to vector<512xf32>
    %broadcast_in_dim3A = vector.shape_cast %reduce_min3A_18 : vector<512xf32> to vector<512x1xf32>
    %bitcast_convert_type3A = tpu.bitcast %broadcast_in_dim3A : vector<512x1xf32> -> vector<512x1xi32>
    %reduce_max3A = arith.constant dense<0xFF800000> : vector<512xf32>
    %reduce_max3A_19 = vector.multi_reduction <maximumf>, %max3A_17, %reduce_max3A [1] : vector<512x16384xf32> to vector<512xf32>
    %broadcast_in_dim3A_20 = vector.shape_cast %reduce_max3A_19 : vector<512xf32> to vector<512x1xf32>
    %bitcast_convert_type3A_21 = tpu.bitcast %broadcast_in_dim3A_20 : vector<512x1xf32> -> vector<512x1xi32>
    %scan3A = arith.constant 0 : i32
    %scan3A_22 = arith.constant 31 : i32
    %scan3A_23 = arith.addi %scan3A, %scan3A_22 : i32
    %scan3A_24 = arith.constant 1 : i32
    %scan3A_25:2 = scf.for %scan3A_40 = %scan3A to %scan3A_23 step %scan3A_24 iter_args(%scan3A_41 = %bitcast_convert_type3A, %scan3A_42 = %bitcast_convert_type3A_21) -> (vector<512x1xi32>, vector<512x1xi32>)  : i32 {
      %sub3A_43 = arith.subi %scan3A_42, %scan3A_41 : vector<512x1xi32>
      %shift_right_arithmetic3A = arith.constant 1 : i32
      %shift_right_arithmetic3A_44 = vector.broadcast %shift_right_arithmetic3A : i32 to vector<512x1xi32>
      %shift_right_arithmetic3A_45 = arith.shrsi %sub3A_43, %shift_right_arithmetic3A_44 : vector<512x1xi32>
      %add3A_46 = arith.addi %scan3A_41, %shift_right_arithmetic3A_45 : vector<512x1xi32>
      %bitcast_convert_type3A_47 = tpu.bitcast %add3A_46 : vector<512x1xi32> -> vector<512x1xf32>
      %le3A = vector.broadcast %bitcast_convert_type3A_47 : vector<512x1xf32> to vector<512x16384xf32>
      %le3A_48 = arith.cmpf ole, %max3A_17, %le3A : vector<512x16384xf32>
      %jit3A = arith.constant 1.000000e+00 : f32
      %jit3A_49 = arith.constant 0.000000e+00 : f32
      %broadcast_in_dim3A_50 = vector.broadcast %jit3A : f32 to vector<512x16384xf32>
      %broadcast_in_dim3A_51 = vector.broadcast %jit3A_49 : f32 to vector<512x16384xf32>
      %select_n3A = arith.select %le3A_48, %broadcast_in_dim3A_50, %broadcast_in_dim3A_51 : vector<512x16384xi1>, vector<512x16384xf32>
      %reduce_sum3A_52 = arith.constant dense<0.000000e+00> : vector<512xf32>
      %reduce_sum3A_53 = vector.multi_reduction <add>, %select_n3A, %reduce_sum3A_52 [1] : vector<512x16384xf32> to vector<512xf32>
      %broadcast_in_dim3A_54 = vector.shape_cast %reduce_sum3A_53 : vector<512xf32> to vector<512x1xf32>
      %ge3A = arith.constant 6.400000e+01 : f32
      %ge3A_55 = vector.broadcast %ge3A : f32 to vector<512x1xf32>
      %ge3A_56 = arith.cmpf oge, %broadcast_in_dim3A_54, %ge3A_55 : vector<512x1xf32>
      %add3A_57 = arith.constant 1 : i32
      %add3A_58 = vector.broadcast %add3A_57 : i32 to vector<512x1xi32>
      %add3A_59 = arith.addi %add3A_46, %add3A_58 : vector<512x1xi32>
      %select_n3A_60 = arith.select %ge3A_56, %scan3A_41, %add3A_59 : vector<512x1xi1>, vector<512x1xi32>
      %select_n3A_61 = arith.select %ge3A_56, %add3A_46, %scan3A_42 : vector<512x1xi1>, vector<512x1xi32>
      scf.yield %select_n3A_60, %select_n3A_61 : vector<512x1xi32>, vector<512x1xi32>
    }
    %bitcast_convert_type3A_26 = tpu.bitcast %scan3A_25#1 : vector<512x1xi32> -> vector<512x1xf32>
    %max3A_27 = arith.constant 1.000000e-16 : f32
    %max3A_28 = vector.broadcast %max3A_27 : f32 to vector<512x1xf32>
    %max3A_29 = arith.maximumf %bitcast_convert_type3A_26, %max3A_28 : vector<512x1xf32>
    %div3A = arith.constant 1.000000e+00 : f32
    %div3A_30 = vector.broadcast %div3A : f32 to vector<512x1xf32>
    %div3A_31 = arith.divf %div3A_30, %max3A_29 : vector<512x1xf32>
    %neg3A = arith.constant 0.000000e+00 : f32
    %neg3A_32 = vector.broadcast %neg3A : f32 to vector<512x16384xf32>
    %neg3A_33 = arith.subf %neg3A_32, %max3A_17 : vector<512x16384xf32>
    %mul3A_34 = vector.broadcast %div3A_31 : vector<512x1xf32> to vector<512x16384xf32>
    %mul3A_35 = arith.mulf %neg3A_33, %mul3A_34 : vector<512x16384xf32>
    %exp3A = math.exp %mul3A_35 : vector<512x16384xf32>
    %reduce_sum3A = arith.constant dense<0.000000e+00> : vector<512xf32>
    %reduce_sum3A_36 = vector.multi_reduction <add>, %exp3A, %reduce_sum3A [1] : vector<512x16384xf32> to vector<512xf32>
    %broadcast_in_dim3A_37 = vector.shape_cast %reduce_sum3A_36 : vector<512xf32> to vector<512x1xf32>
    %swap3A = arith.constant 0 : index
    %swap3A_38 = arith.constant 0 : index
    %swap3A_39 = vector.load %arg5[%swap3A, %swap3A_38] : memref<512x1xf32, #tpu.memory_space<vmem>>, vector<512x1xf32>
    tpu.vector_store %arg5[%swap3A, %swap3A_38], %broadcast_in_dim3A_37 {strides = array<i32>} : memref<512x1xf32, #tpu.memory_space<vmem>>, vector<512x1xf32>,
    return
  }
  func.func @transform_0(%arg0: i32) -> (i32, i32) {
    %c0_i32 = arith.constant 0 : i32
    %c0_i32_0 = arith.constant 0 : i32
    return %arg0, %c0_i32 : i32, i32
  }
  func.func @transform_1(%arg0: i32) -> (i32, i32) {
    %c0_i32 = arith.constant 0 : i32
    %c0_i32_0 = arith.constant 0 : i32
    return %arg0, %c0_i32 : i32, i32
  }
  func.func @transform_2(%arg0: i32) -> (i32, i32) {
    %c0_i32 = arith.constant 0 : i32
    %c0_i32_0 = arith.constant 0 : i32
    %c0_i32_1 = arith.constant 0 : i32
    return %c0_i32, %c0_i32_0 : i32, i32
  }
  func.func @transform_3(%arg0: i32) -> (i32, i32) {
    %c0_i32 = arith.constant 0 : i32
    %c0_i32_0 = arith.constant 0 : i32
    %c0_i32_1 = arith.constant 0 : i32
    return %c0_i32, %c0_i32_0 : i32, i32
  }
  func.func @transform_4(%arg0: i32) -> (i32, i32) {
    %c0_i32 = arith.constant 0 : i32
    %c0_i32_0 = arith.constant 0 : i32
    return %arg0, %c0_i32 : i32, i32
  }
}

module attributes {stable_mosaic.version = 14 : i64} {
  func.func @_semantic_kernel(%arg0: memref<4096x128xf32, #tpu.memory_space<vmem>>, %arg1: memref<4096x1xf32, #tpu.memory_space<vmem>>, %arg2: memref<16x128xf32, #tpu.memory_space<vmem>>, %arg3: memref<1x16xf32, #tpu.memory_space<vmem>>, %arg4: memref<4096x1xf32, #tpu.memory_space<vmem>>) attributes {dimension_semantics = [], scalar_prefetch = 0 : i64, scratch_operands = 0 : i64, tpu.core_type = #tpu.core_type<tc>} {
    %get3A = arith.constant 0 : index
    %get3A_0 = arith.constant 0 : index
    %get3A_1 = vector.load %arg2[%get3A, %get3A_0] : memref<16x128xf32, #tpu.memory_space<vmem>>, vector<8x128xf32>
    %get3A_2 = arith.constant 0 : index
    %get3A_3 = arith.constant 0 : index
    %get3A_4 = vector.load %arg3[%get3A_2, %get3A_3] : memref<1x16xf32, #tpu.memory_space<vmem>>, vector<1x8xf32>
    %reduce_sum3A = vector.shape_cast %get3A_4 : vector<1x8xf32> to vector<1x1x8xf32>
    %reduce_sum3A_5 = arith.constant dense<0.000000e+00> : vector<1xf32>
    %reduce_sum3A_6 = vector.multi_reduction <add>, %reduce_sum3A, %reduce_sum3A_5 [1, 2] : vector<1x1x8xf32> to vector<1xf32>
    %reduce_sum3A_7 = vector.shape_cast %reduce_sum3A_6 : vector<1xf32> to vector<1x1x1xf32>
    %reduce_sum3A_8 = vector.extract %reduce_sum3A_7[0, 0, 0] : f32 from vector<1x1x1xf32>
    %add3A = arith.constant 9.99999993E-9 : f32
    %add3A_9 = arith.addf %reduce_sum3A_8, %add3A : f32
    %div3A = vector.broadcast %add3A_9 : f32 to vector<1x8xf32>
    %div3A_10 = arith.divf %get3A_4, %div3A : vector<1x8xf32>
    %broadcast_in_dim3A = arith.constant 1.000000e+00 : f32
    %broadcast_in_dim3A_11 = vector.broadcast %broadcast_in_dim3A : f32 to vector<1x128xf32>
    %mul3A = arith.mulf %get3A_1, %get3A_1 : vector<8x128xf32>
    %dot_general3A = arith.constant dense<0.000000e+00> : vector<1x8xf32>
    %dot_general3A_12 = tpu.matmul %broadcast_in_dim3A_11, %mul3A, %dot_general3A {dimension_numbers = #tpu.dot_dimension_numbers<[1], [1], [0], [0], [0, 0, 1, 0], [], []>, transpose_lhs_hint = false} : vector<1x128xf32>, vector<8x128xf32>, vector<1x8xf32> -> vector<1x8xf32>
    %get3A_13 = arith.constant 0 : index
    %get3A_14 = arith.constant 0 : index
    %get3A_15 = vector.load %arg0[%get3A_13, %get3A_14] : memref<4096x128xf32, #tpu.memory_space<vmem>>, vector<4096x128xf32>
    %dot_general3A_16 = arith.constant dense<0.000000e+00> : vector<4096x8xf32>
    %dot_general3A_17 = tpu.matmul %get3A_15, %get3A_1, %dot_general3A_16 {dimension_numbers = #tpu.dot_dimension_numbers<[1], [1], [0], [0], [0, 0, 1, 0], [], []>, transpose_lhs_hint = false} : vector<4096x128xf32>, vector<8x128xf32>, vector<4096x8xf32> -> vector<4096x8xf32>
    %get3A_18 = arith.constant 0 : index
    %get3A_19 = arith.constant 0 : index
    %get3A_20 = vector.load %arg1[%get3A_18, %get3A_19] : memref<4096x1xf32, #tpu.memory_space<vmem>>, vector<4096x1xf32>
    %add3A_21 = vector.broadcast %get3A_20 : vector<4096x1xf32> to vector<4096x8xf32>
    %add3A_22 = vector.broadcast %dot_general3A_12 : vector<1x8xf32> to vector<4096x8xf32>
    %add3A_23 = arith.addf %add3A_21, %add3A_22 : vector<4096x8xf32>
    %mul3A_24 = arith.constant 2.000000e+00 : f32
    %mul3A_25 = vector.broadcast %mul3A_24 : f32 to vector<4096x8xf32>
    %mul3A_26 = arith.mulf %mul3A_25, %dot_general3A_17 : vector<4096x8xf32>
    %sub3A = arith.subf %add3A_23, %mul3A_26 : vector<4096x8xf32>
    %max3A = arith.constant 9.99999996E-13 : f32
    %max3A_27 = vector.broadcast %max3A : f32 to vector<4096x8xf32>
    %max3A_28 = arith.maximumf %sub3A, %max3A_27 : vector<4096x8xf32>
    %sqrt3A = math.sqrt %max3A_28 : vector<4096x8xf32>
    %neg3A = arith.constant 0.000000e+00 : f32
    %neg3A_29 = vector.broadcast %neg3A : f32 to vector<4096x8xf32>
    %neg3A_30 = arith.subf %neg3A_29, %sqrt3A : vector<4096x8xf32>
    %div3A_31 = arith.constant 1.000000e-01 : f32
    %div3A_32 = vector.broadcast %div3A_31 : f32 to vector<4096x8xf32>
    %div3A_33 = arith.divf %neg3A_30, %div3A_32 : vector<4096x8xf32>
    %reduce_max3A = arith.constant dense<0xFF800000> : vector<4096xf32>
    %reduce_max3A_34 = vector.multi_reduction <maximumf>, %div3A_33, %reduce_max3A [1] : vector<4096x8xf32> to vector<4096xf32>
    %broadcast_in_dim3A_35 = vector.shape_cast %reduce_max3A_34 : vector<4096xf32> to vector<4096x1xf32>
    %sub3A_36 = vector.broadcast %broadcast_in_dim3A_35 : vector<4096x1xf32> to vector<4096x8xf32>
    %sub3A_37 = arith.subf %div3A_33, %sub3A_36 : vector<4096x8xf32>
    %exp3A = math.exp %sub3A_37 : vector<4096x8xf32>
    %reduce_sum3A_38 = arith.constant dense<0.000000e+00> : vector<4096xf32>
    %reduce_sum3A_39 = vector.multi_reduction <add>, %exp3A, %reduce_sum3A_38 [1] : vector<4096x8xf32> to vector<4096xf32>
    %broadcast_in_dim3A_40 = vector.shape_cast %reduce_sum3A_39 : vector<4096xf32> to vector<4096x1xf32>
    %div3A_41 = vector.broadcast %broadcast_in_dim3A_40 : vector<4096x1xf32> to vector<4096x8xf32>
    %div3A_42 = arith.divf %exp3A, %div3A_41 : vector<4096x8xf32>
    %mul3A_43 = vector.broadcast %div3A_10 : vector<1x8xf32> to vector<4096x8xf32>
    %mul3A_44 = arith.mulf %div3A_42, %mul3A_43 : vector<4096x8xf32>
    %reduce_sum3A_45 = arith.constant dense<0.000000e+00> : vector<4096xf32>
    %reduce_sum3A_46 = vector.multi_reduction <add>, %mul3A_44, %reduce_sum3A_45 [1] : vector<4096x8xf32> to vector<4096xf32>
    %broadcast_in_dim3A_47 = vector.shape_cast %reduce_sum3A_46 : vector<4096xf32> to vector<4096x1xf32>
    %swap3A = arith.constant 0 : index
    %swap3A_48 = arith.constant 0 : index
    %swap3A_49 = vector.load %arg4[%swap3A, %swap3A_48] : memref<4096x1xf32, #tpu.memory_space<vmem>>, vector<4096x1xf32>
    tpu.vector_store %arg4[%swap3A, %swap3A_48], %broadcast_in_dim3A_47 {strides = array<i32>} : memref<4096x1xf32, #tpu.memory_space<vmem>>, vector<4096x1xf32>,
    return
  }
}

</mosaic_0001>

<sc_bundles>
// kernel: kernel.6.cloned.1.call-start
scs
__scs_entry_jumppad:
0x0: {  	(pc) =	sbr.rel $0x88, $3  }
0x1: {  	(tag) =	ssettag $0x0;
	lr =	simm.s32 $0x1  }
0x2: {  	[smem:$0x3F9C] =	sst lr;
	_ =	strace $0xD0000000  }
0x3: {  	_ = 	snop  }
0x4: {  	_ = 	snop  }
0x5: {  	_ = 	snop  }
0x6: {  	_ = 	snop  }
0x7: {  	_ = 	snop  }
__scs_overlays_trampoline_lowered:
0x8: {  	[smem:$0x3FAB] =	sst s0  }
0x9: {  	[smem:$0x3FAC] =	sst s1  }
0xa: {  	[smem:$0x3FAD] =	sst s2  }
0xb: {  	[smem:$0x3FAE] =	sst s3  }
0xc: {  	[smem:$0x3FAF] =	sst s4  }
0xd: {  	[smem:$0x3FB0] =	sst s5  }
0xe: {  	[smem:$0x3FB1] =	sst s6  }
0xf: {  	[smem:$0x3FB2] =	sst s7  }
0x10: {  	[smem:$0x3FB3] =	sst s8  }
0x11: {  	[smem:$0x3FB4] =	sst s9;
	s0 =	simm.s32 @!p0 $0x0  }
0x12: {  	s1 =	sld [smem:$0x3F9A];
	s0 =	simm.s32 @p0 $0x1  }
0x13: {  	[smem:$0x3FB5] =	sst s0;
	s0 =	simm.s32 @!p1 $0x0  }
0x14: {  	s2 =	sld [smem:$0x3F99];
	s0 =	simm.s32 @p1 $0x1  }
0x15: {  	[smem:$0x3FB6] =	sst s0;
	s0 =	simm.s32 @!p2 $0x0  }
0x16: {  	s3 =	sld [smem:$0x3FDB];
	s0 =	simm.s32 @p2 $0x1  }
0x17: {  	s4 =	simm.s32 $0x1BF5;
	[smem:$0x3FB8] =	sst s0  }
0x18: {  	s0 =	sld [smem:$0x3F9B];
	_ =	swait.ge [sflag:s4], $0x0  }
0x19: {  	s7 =	sld [smem:$0x3F9C]  }
0x1a: {  	s8 =	sadd.s32 $0xFFFFE003, lr  }
0x1b: {  	s9 =	sadd.s32 $0xFFFFFEF7, lr;
	s5 =	simm.s32 $0xFFFFFFFF;
	p2 =	slt.u32 s8, $0xFFFFF086  }
0x1c: {  	p1 =	slt.u32 s9, $0xF7A;
	s5 =	simm.s32 @!p2 $0x0  }
0x1d: {  	s5 =	simm.s32 @p1 $0x1;
	p0 =	seq.s32 s7, s2  }
0x1e: {  	s7 =	smul.u32 @!p0 $0xF7A, s2;
	p2 =	seq.s32 @!p0 s5, $0x0  }
0x1f: {  	s9 =	smul.u32 $0xF7A, s1;
	s8 =	simm.s32 @!p0 $0x1BF5;
	p2 =	por !p2, p0  }
0x20: {  	[sflag:s8] =	ssyncset.s32 @!p0 $0xFFFFF086;
	s6 =	sadd.s32 @!p0 s3, s7;
	s7 =	simm.s32 @!p0 $0x108  }
0x21: {  	s3 =	sadd.s32 s3, s9;
	s6 =	sadd.s32 @!p0 $0x88, s6;
	s7 =	simm.s32 @p2 $0x1082  }
0x22: {  	[simem:s7], [sflag:s8] =	dma.local @!p0 [hbm:s6], $0xF7A  }
0x23: {  	s9 =	sor.u32 $0xD0000000, s2;
	s6 =	simm.s32 $0x108;
	_ =	swait.ge @!p0 [sflag:s8], $0x0  }
0x24: {  	s3 =	sadd.s32 $0x88, s3;
	s6 =	simm.s32 @!p1 $0x1082;
	[sflag:s4] =	ssyncset.s32 $0xFFFFF086  }
0x25: {  	[simem:s6], [sflag:s4] =	dma.local [hbm:s3], $0xF7A  }
0x26: {  	[smem:$0x3F9C] =	sst s1;
	(tag) =	ssettag s2;
	_ =	strace s9  }
0x27: {  	s1 =	sld [smem:$0x3FAC]  }
0x28: {  	s2 =	sld [smem:$0x3FAD]  }
0x29: {  	s4 =	sld [smem:$0x3FAF]  }
0x2a: {  	p0 =	seq.s32 s5, $0x0;
	s5 =	sld [smem:$0x3FB0]  }
0x2b: {  	s6 =	sld [smem:$0x3FB1]  }
0x2c: {  	s7 =	sld [smem:$0x3FB2]  }
0x2d: {  	s3 =	simm.s32 $0x108;
	s8 =	sld [smem:$0x3FB3]  }
0x2e: {  	s3 =	simm.s32 @!p0 $0x1082;
	s9 =	sld [smem:$0x3FB4]  }
0x2f: {  	lr =	sadd.s32 s0, s3;
	s0 =	sld [smem:$0x3FAB]  }
0x30: {  	s3 =	sld [smem:$0x3FAE]  }
0x31: {  	[smem:$0x3FB7] =	sst s10  }
0x32: {  	s10 =	sld [smem:$0x3FB5];
	_ =	sdelay $0x3  }
0x33: {  	p0 =	seq.s32 s10, $0x1;
	s10 =	sld [smem:$0x3FB7];
	_ =	sdelay $0x3  }
0x34: {  	[smem:$0x3FB7] =	sst s10  }
0x35: {  	s10 =	sld [smem:$0x3FB6];
	_ =	sdelay $0x3  }
0x36: {  	p1 =	seq.s32 s10, $0x1;
	s10 =	sld [smem:$0x3FB7];
	_ =	sdelay $0x3  }
0x37: {  	[smem:$0x3FB7] =	sst s10  }
0x38: {  	s10 =	sld [smem:$0x3FB8]  }
0x39: {  	_ = 	snop;
	(pc) =	sbr.ind lr, $3  }
0x3a: {  	_ = 	snop  }
0x3b: {  	_ = 	snop  }
0x3c: {  	p2 =	seq.s32 s10, $0x1;
	s10 =	sld [smem:$0x3FB7]  }
0x3d: {  	_ =	shalt  }
0x3e: {  	_ =	shalt  }
0x3f: {  	_ =	shalt  }
0x40: {  	_ =	shalt  }
0x41: {  	_ =	shalt  }
0x42: {  	_ =	shalt  }
0x43: {  	_ =	shalt  }
0x44: {  	_ =	shalt  }
0x45: {  	_ =	shalt  }
0x46: {  	_ =	shalt  }
0x47: {  	_ =	shalt  }
0x48: {  	_ =	shalt  }
0x49: {  	_ =	shalt  }
0x4a: {  	_ =	shalt  }
0x4b: {  	_ =	shalt  }
0x4c: {  	_ =	shalt  }
0x4d: {  	_ =	shalt  }
0x4e: {  	_ =	shalt  }
0x4f: {  	_ =	shalt  }
0x50: {  	_ =	shalt  }
0x51: {  	_ =	shalt  }
0x52: {  	_ =	shalt  }
0x53: {  	_ =	shalt  }
0x54: {  	_ =	shalt  }
0x55: {  	_ =	shalt  }
0x56: {  	_ =	shalt  }
0x57: {  	_ =	shalt  }
0x58: {  	_ =	shalt  }
0x59: {  	_ =	shalt  }
0x5a: {  	_ =	shalt  }
0x5b: {  	_ =	shalt  }
0x5c: {  	_ =	shalt  }
0x5d: {  	_ =	shalt  }
0x5e: {  	_ =	shalt  }
0x5f: {  	_ =	shalt  }
0x60: {  	_ =	shalt  }
0x61: {  	_ =	shalt  }
0x62: {  	_ =	shalt  }
0x63: {  	_ =	shalt  }
0x64: {  	_ =	shalt  }
0x65: {  	_ =	shalt  }
0x66: {  	_ =	shalt  }
0x67: {  	_ =	shalt  }
0x68: {  	_ =	shalt  }
0x69: {  	_ =	shalt  }
0x6a: {  	_ =	shalt  }
0x6b: {  	_ =	shalt  }
0x6c: {  	_ =	shalt  }
0x6d: {  	_ =	shalt  }
0x6e: {  	_ =	shalt  }
0x6f: {  	_ =	shalt  }
0x70: {  	_ =	shalt  }
0x71: {  	_ =	shalt  }
0x72: {  	_ =	shalt  }
0x73: {  	_ =	shalt  }
0x74: {  	_ =	shalt  }
0x75: {  	_ =	shalt  }
0x76: {  	_ =	shalt  }
0x77: {  	_ =	shalt  }
0x78: {  	_ =	shalt  }
0x79: {  	_ =	shalt  }
0x7a: {  	_ =	shalt  }
0x7b: {  	_ =	shalt  }
0x7c: {  	_ =	shalt  }
0x7d: {  	_ =	shalt  }
0x7e: {  	_ =	shalt  }
0x7f: {  	_ =	shalt  }
0x80: {  	_ =	shalt  }
0x81: {  	_ =	shalt  }
0x82: {  	_ =	shalt  }
0x83: {  	_ =	shalt  }
0x84: {  	_ =	shalt  }
0x85: {  	_ =	shalt  }
0x86: {  	_ =	shalt  }
0x87: {  	_ =	shalt  }
.Lfunc_end0:
.L_simem_size_0:
called_computation_lowered:
.L_overlay_start_0:
0x88: {  	s2 =	sld [smem:$0x3FD9]  }
0x89: {  	s3 =	sld [smem:$0x3FFE];
	_ =	sdelay $0x1  }
0x8a: {  	s1 =	srdreg.scid  }
0x8b: {  	s0 =	sand.u32 $0x1, s1  }
0x8c: {  	s17 =	sshll.u32 s0, $0xA;
	s2 =	sadd.s32 s3, s2  }
0x8d: {  	s2 =	sadd.s32 s2, s17  }
0x8e: {  	[smem:$0x3FC3] =	sst s2  }
0x8f: {  	_ = 	snop  }
0x90: {  	s2 =	sld [smem:$0x3FD0];
	(tm) =	ssettm $0x1  }
0x91: {  	s18 =	sld [smem:$0x3FFB];
	_ =	sdelay $0x3  }
0x92: {  	_ =	strace s18  }
0x93: {  	s3 =	sld [smem:$0x3FFC];
	_ =	sdelay $0x3  }
0x94: {  	_ =	strace s3  }
0x95: {  	s3 =	sld [smem:$0x3FFD];
	_ =	sdelay $0x3  }
0x96: {  	_ =	strace s3  }
0x97: {  	_ =	strace $0x8FFFFFFF  }
0x98: {  	s19 =	sld [smem:$0x3FDB];
	_ =	sdelay $0x1  }
0x99: {  	s4 =	simm.s32 $_scs_section_size  }
0x9a: {  	s5 =	simm.s32 $_size__tile_overlayer_lowered;
	s6 =	simm.s32 $_tile_overlayer_lowered  }
0x9b: {  	s22 =	simm.s32 $0x1BFF;
	s21 =	sshll.u32 s6, $0x1;
	s3 =	sadd.s32 s4, s19  }
0x9c: {  	s7 =	simm.s32 $0x0;
	s20 =	sshll.u32 s5, $0x1;
	s5 =	sadd.s32 s21, s3  }
0x9d: {  	[timem:s7], [sflag:s22] =	dma.local [hbm:s5], s20  }
0x9e: {  	_ =	swait.ge [sflag:s22], s20  }
0x9f: {  	s4 =	ssub.s32 $0x0, s20;
	[sflag:s22] =	ssyncset.done $0x0  }
0xa0: {  	[sflag:s22] =	ssyncadd.s32 s4;
	_ =	sdelay $0x1  }
0xa1: {  	s23 =	simm.s32 $0x1B8B  }
0xa2: {  	_ =	swait.ge [sflag:s23], $0x1  }
0xa3: {  	[sflag:s23] =	ssyncset.done $0x0  }
0xa4: {  	s25 =	simm.s32 $0x1B8E;
	s24 =	sld [smem:$0x3FFE];
	[sflag:s23] =	ssyncadd.s32 $0xFFFFFFFF  }
0xa5: {  	s26 =	simm.s32 $execute0_lowered;
	[smem:$0x3FD2] =	sst s25  }
0xa6: {  	s5 =	sshll.u32 s26, $0x1;
	_ =	strace $0x80000046;
	[dreg:$0x1] =	wrdreg $0xFFFFFFFF  }
0xa7: {  	s28 =	simm.s32 $_size_execute0_lowered;
	s3 =	sadd.s32 s3, s5;
	[dreg:$0x0] =	wrdreg $0x0  }
0xa8: {  	s5 =	sshll.u32 s28, $0x1;
	[dreg:$0x2] =	wrdreg s3  }
0xa9: {  	[dreg:$0x3] =	wrdreg s5  }
0xaa: {  	[dreg:$0x4] =	wrdreg $0xC0  }
0xab: {  	_ =	task [dreg:s7], $0x5FFFF  }
0xac: {  	[dreg:$0x1] =	wrdreg $0xFFFFFFFF  }
0xad: {  	[dreg:$0x0] =	wrdreg $0x60  }
0xae: {  	[dreg:$0x2] =	wrdreg s24  }
0xaf: {  	[dreg:$0x3] =	wrdreg s2  }
0xb0: {  	[dreg:$0x4] =	wrdreg $0x9  }
0xb1: {  	_ =	task.clear_ibuf [dreg:s7], $0x5FFFF;
	_ =	strace $0x90000046  }
0xb2: {  	s29 =	simm.s32 $0x9;
	_ =	strace $0x80000048  }
0xb3: {  	_ =	swait.ge [sflag:s29], $0x1  }
0xb4: {  	[sflag:s29] =	ssyncadd.s32 $0xFFFFFFFF  }
0xb5: {  	_ =	strace $0x90000048  }
0xb6: {  	_ =	sfence  }
0xb7: {  	s30 =	sld [smem:$0x0];
	_ =	sdelay $0x2  }
0xb8: {  	s31 =	sshll.u32 s1, $0xD;
	s1 =	sshrl.u32 s1, $0x2  }
0xb9: {  	s3 =	sand.u32 $0x4000, s31;
	s1 =	sadd.s32 s1, s30  }
0xba: {  	s0 =	sor.u32 s3, s0;
	s1 =	sshll.u32 s1, $0x11  }
0xbb: {  	s0 =	sor.u32 s1, s0  }
0xbc: {  	s0 =	sadd.s32 $0x8F2B, s0  }
0xbd: {  	[sflag:s0] =	ssyncadd.remote.s32 $0x1  }
0xbe: {  	_ =	sfence.sel $0xFFFF  }
0xbf: {  	[dreg:$0x0] =	wrdreg $0xFFFFFFFF;
	(pc) =	sbr.abs _section_cstart, $3  }
0xc0: {  	[dreg:$0x1] =	wrdreg $0xFFFFFFFF  }
0xc1: {  	_ =	task.clear_ibuf [dreg:s7], $0x2FFFF;
	_ =	strace $0x9FFFFFFF  }
0xc2: {  	(tm) =	ssettm $0x7FFFFFFF  }
0xc3: {  	_ =	shalt  }
tec
execute0_lowered:
.L_overlay_start_1:
0x0: {  	(tag) =	ssettag $0x1  }
0x1: {  	s0 =	srdreg.scid  }
0x2: {  	s3 =	sand.u32 $0x1, s0;
	s0 =	stileid.u32  }
0x3: {  	s4 =	sshll.u32 s0, $0x1;
	s6 =	ssub.s32 $0x0, s3  }
0x4: {  	p0 =	sne.s32 s4, s6  }
.Ltmp0:
0x5: {  	_ = 	snop;
	(pc) =	sbr.rel @p0 .LBB2_9-.Ltmp0, $4  }
0x6: {  	_ = 	snop  }
0x7: {  	s5 =	rddreg [dreg:$0x0]  }
0x8: {  	s2 =	rddreg [dreg:$0x1]  }
0x9: {  	s1 =	rddreg [dreg:$0x2];
	_ =	strace $0x80000047  }
0xa: {  	v0 =	vimm.s32 $0x76543210;
	v1 =	vimm.s32 $0xFEDCBA98  }
0xb: {  	v2 =	vimm.s32 $0xBA98FEDC;
	v3 =	vimm.s32 $0x32107654;
	v4 =	vimm.s32 $0xDCFE98BA  }
0xc: {  	v5 =	vimm.s32 $0x54761032;
	v6 =	vimm.s32 $0xEFCDAB89;
	v7 =	vimm.s32 $0x67452301  }
0xd: {  	v0 =	vunpack.c.l.s4.s8 v0;
	v1 =	vunpack.c.l.s4.s8 v1;
	v2 =	vunpack.c.l.s4.s8 v2  }
0xe: {  	v3 =	vunpack.c.l.s4.s8 v3;
	v4 =	vunpack.c.l.s4.s8 v4;
	v5 =	vunpack.c.l.s4.s8 v5  }
0xf: {  	v6 =	vunpack.c.l.s4.s8 v6;
	v7 =	vunpack.c.l.s4.s8 v7;
	v2 =	vunpack.c.0.s8.s32 v2  }
0x10: {  	s6 =	ssub.s32 $0x2, s3;
	s3 =	sadd.s32 $0x21600, s5;
	v3 =	vunpack.c.0.s8.s32 v3;
	v4 =	vunpack.c.0.s8.s32 v4;
	v5 =	vunpack.c.0.s8.s32 v5  }
0x11: {  	s4 =	sadd.s32 $0x1600, s5;
	s5 =	sadd.s32 $0x21800, s5;
	s8 =	simm.s32 $0x2;
	v1 =	vunpack.c.0.s8.s32 v1;
	v6 =	vunpack.c.0.s8.s32 v6;
	v7 =	vunpack.c.0.s8.s32 v7  }
0x12: {  	s9 =	simm.s32 $0xD00;
	s10 =	simm.s32 $0xD80;
	s11 =	simm.s32 $0x10;
	v0 =	vunpack.c.0.s8.s32 v0;
	v2 =	vcombine.low v3, v2  }
0x13: {  	s12 =	simm.s32 $0xC80;
	s13 =	simm.s32 $0x400;
	s7 =	sshrl.u32 s6, $0x1;
	v3 =	vcombine.low v5, v4;
	v1 =	vand.u32 $0xF, v1;
	v4 =	vcombine.low v7, v6  }
0x14: {  	s14 =	simm.s32 $0x1;
	s15 =	simm.s32 $0xC00;
	s6 =	ssub.s32 s6, s7;
	v5 =	vimm.f32 $-Inf;
	v0 =	vcombine.low v1, v0;
	v1 =	vand.u32 $0xF, v2  }
0x15: {  	s16 =	simm.s32 $0x0;
	s7 =	simm.s32 $0x0;
	s6 =	smax.u32 s6, $0x1;
	v2 =	vand.u32 $0xF, v3;
	v3 =	vand.u32 $0xF, v4;
	v4 =	vlaneseq.u32  }
.LBB2_2:
0x16: {  	[tilespmem:s7], [sflag:$0x2] =	stream.linear.gather [hbm4b:s3+s7], $0x400, $0x38;
	[tilespmem:$0xE00] =	vst v63  }
0x17: {  	_ =	swait.ge [sflag:s8], $0x400  }
0x18: {  	[sflag:s8] =	ssyncset.done $0x0  }
0x19: {  	v7 =	vimm.f32 $0.0e+00;
	v6 =	vimm.s32 $0x0;
	s17 =	simm.s32 $0x0;
	[sflag:s8] =	ssyncadd.s32 $0xFFFFFC00  }
.LBB2_3:
0x1a: {  	s19 =	simm.s32 $0x0  }
0x1b: {  	v8 =	vimm.f32 $-Inf;
	s18 =	simm.s32 $0x40;
	v9 =	vld [tilespmem:s19+$0x0]  }
.LBB2_4:
0x1c: {  	p0 =	sne.s32 s18, $0xFC0  }
.Ltmp1:
0x1d: {  	_ = 	snop;
	(pc) =	sbr.rel @p0 .LBB2_4-.Ltmp1, $3  }
0x1e: {  	_ =	sdelay $0x1  }
0x1f: {  	s19 =	sshra.s32 s18, $0x2;
	s18 =	sadd.s32 $0x40, s18;
	v8 =	vmax.f32 v8, v9  }
0x20: {  	v9 =	vld [tilespmem:s19+$0x0]  }
0x21: {  	_ =	sdelay $0x3  }
0x22: {  	v8 =	vmax.f32 v8, v9  }
0x23: {  	[tilespmem:$0xD00] =	vst v8  }
0x24: {  	v9 =	vld.idx.msk [tilespmem:v0+s9+$0x0], $0xffff;
	_ =	sdelay $0x4  }
0x25: {  	v8 =	vmax.f32 v8, v9  }
0x26: {  	[tilespmem:$0xD00] =	vst v8  }
0x27: {  	v9 =	vld.idx.msk [tilespmem:v1+s9+$0x0], $0xffff;
	_ =	sdelay $0x4  }
0x28: {  	v8 =	vmax.f32 v8, v9  }
0x29: {  	[tilespmem:$0xD00] =	vst v8  }
0x2a: {  	v9 =	vld.idx.msk [tilespmem:v2+s9+$0x0], $0xffff;
	_ =	sdelay $0x4  }
0x2b: {  	v8 =	vmax.f32 v8, v9  }
0x2c: {  	[tilespmem:$0xD00] =	vst v8  }
0x2d: {  	s19 =	simm.s32 $0x0;
	v9 =	vld.idx.msk [tilespmem:v3+s9+$0x0], $0xffff  }
0x2e: {  	v11 =	vld [tilespmem:s19+$0x0];
	_ =	sdelay $0x3  }
0x2f: {  	v8 =	vmax.f32 v8, v9  }
0x30: {  	s18 =	simm.s32 $0x10;
	v10 =	vor.u32 s19, v4;
	s19 =	simm.s32 $0x10;
	v9 =	vimm.s32 $0x40000000;
	vm0 =	veq.f32 v11, v8  }
.LBB2_6:
0x31: {  	v11 =	vld [tilespmem:s19+$0x0];
	p0 =	sne.s32 s18, $0x3F0;
	v10 =	vnsel vm0, $0x40000000, v10;
	s20 =	smov.u32 s18;
	s18 =	sadd.s32 $0x10, s18  }
.Ltmp2:
0x32: {  	vm0 =	vlt.s32 v9, v10;
	(pc) =	sbr.rel @p0 .LBB2_6-.Ltmp2, $2  }
0x33: {  	v9 =	vsel vm0, v9, v10;
	_ =	sdelay $0x2  }
0x34: {  	s19 =	sadd.s32 $0x10, s19;
	v10 =	vor.u32 s20, v4;
	vm0 =	veq.f32 v11, v8  }
0x35: {  	v10 =	vnsel vm0, $0x40000000, v10  }
0x36: {  	vm0 =	vlt.s32 v9, v10  }
0x37: {  	v9 =	vsel vm0, v9, v10  }
0x38: {  	[tilespmem:$0xD80] =	vst v9  }
0x39: {  	v59 =	vld.idx.msk [tilespmem:v0+s10+$0x0], $0xffff;
	_ =	sdelay $0x4  }
0x3a: {  	vm0 =	vlt.s32 v9, v59  }
0x3b: {  	v9 =	vsel vm0, v9, v59  }
0x3c: {  	[tilespmem:$0xD80] =	vst v9  }
0x3d: {  	v60 =	vld.idx.msk [tilespmem:v1+s10+$0x0], $0xffff;
	_ =	sdelay $0x4  }
0x3e: {  	vm0 =	vlt.s32 v9, v60  }
0x3f: {  	v9 =	vsel vm0, v9, v60  }
0x40: {  	[tilespmem:$0xD80] =	vst v9  }
0x41: {  	v61 =	vld.idx.msk [tilespmem:v2+s10+$0x0], $0xffff;
	_ =	sdelay $0x4  }
0x42: {  	vm0 =	vlt.s32 v9, v61  }
0x43: {  	v9 =	vsel vm0, v9, v61  }
0x44: {  	[tilespmem:$0xD80] =	vst v9  }
0x45: {  	v62 =	vld.idx.msk [tilespmem:v3+s10+$0x0], $0xffff;
	_ =	sdelay $0x4  }
0x46: {  	v63 =	vmov s17;
	s17 =	sadd.s32 $0x1, s17;
	vm0 =	vlt.s32 v9, v62  }
0x47: {  	p0 =	sne.s32 s17, $0x8;
	v9 =	vsel vm0, v9, v62  }
.Ltmp3:
0x48: {  	_ = 	snop;
	(pc) =	sbr.rel @p0 .LBB2_3-.Ltmp3, $3  }
0x49: {  	_ =	sdelay $0x1  }
0x4a: {  	vm15 =	veq.s32 v63, v4  }
0x4b: {  	v7 =	vsel vm15, v8, v7;
	v6 =	vsel vm15, v9, v6;
	[tilespmem:v9+s7+$0x0] =	vst.idx.msk $0x1, v5  }
0x4c: {  	[tilespmem:$0xC00] =	vst v7;
	v6 =	vadd.s32 $0xC00, v6  }
0x4d: {  	[tilespmem:$0xC80] =	vst v6  }
0x4e: {  	[tilespmem:s13], [sflag:$0x1] =	stream.indirect.gather [hbm4b:s4+s11], $0x80, s12, s11, $0xb8;
	[tilespmem:$0xE00] =	vst v63  }
0x4f: {  	_ =	swait.ge [sflag:s14], $0x800  }
0x50: {  	[sflag:s14] =	ssyncset.done $0x0  }
0x51: {  	[sflag:s14] =	ssyncadd.s32 $0xFFFFF800  }
0x52: {  	[hbm4b:s2+s7] =	stream.linear.scatter [tilespmem:s13], [sflag:$0x2], $0x800, $0x38;
	[tilespmem:$0xE00] =	vst v63  }
0x53: {  	s16 =	sadd.s32 $0x1, s16;
	_ =	swait.ge [sflag:s8], $0x800  }
0x54: {  	p0 =	sne.s32 s16, s6;
	[sflag:s8] =	ssyncset.done $0x0  }
.Ltmp4:
0x55: {  	[sflag:s8] =	ssyncadd.s32 $0xFFFFF800;
	(pc) =	sbr.rel @p0 .LBB2_2-.Ltmp4, $4  }
0x56: {  	[hbm4b:s5+s7] =	stream.linear.scatter [tilespmem:s15], [sflag:$0x2], $0x80, $0x38;
	[tilespmem:$0xE00] =	vst v63  }
0x57: {  	_ =	swait.ge [sflag:s8], $0x80  }
0x58: {  	[sflag:s8] =	ssyncset.done $0x0  }
0x59: {  	[sflag:s8] =	ssyncadd.s32 $0xFFFFFF80  }
.LBB2_9:
0x5a: {  	_ =	sfence.sel $0x180000  }
0x5b: {  	[bflag:$0x0] =	sbarrier.arrive $0xFFFF  }
0x5c: {  	p0 =	sne.s32 s0, $0x0;
	_ =	strace $0x90000047  }
0x5d: {  	s0 =	sadd.s32 @!p0 $0x100000, s1;
	[bflag:$0x2] =	sbarrier.arrive $0xFFFF  }
0x5e: {  	[sflag:s0] =	ssyncadd.tile.s32 @!p0 $0x1;
	_ =	shalt  }
.Lfunc_end2:
_tile_overlayer_lowered:
.L_overlay_start_2:
0x5f: {  	(tag) =	ssettag $0x2  }
0x60: {  	s0 =	rddreg [dreg:$0x0];
	s2 =	stileid.u32  }
0x61: {  	s1 =	rddreg [dreg:$0x1];
	p0 =	sne.s32 s2, $0x0  }
0x62: {  	s3 =	rddreg [dreg:$0x2];
	[bflag:$0x3] =	sbarrier.arrive $0xFFFF;
	s2 =	simm.s32 @!p0 $0x1C02  }
0x63: {  	[timem:s3], [sflag:s2] =	dma.local @!p0 [hbm:s0], s1  }
0x64: {  	s0 =	simm.s32 @!p0 $0x2  }
0x65: {  	_ =	swait.ge @!p0 [sflag:s0], s1  }
0x66: {  	s1 =	ssub.s32 @!p0 $0x0, s1;
	[sflag:s0] =	ssyncset.done @!p0 $0x0  }
0x67: {  	[sflag:s0] =	ssyncadd.s32 @!p0 s1  }
0x68: {  	[bflag:$0x3] =	sbarrier.arrive $0xFFFF  }
0x69: {  	_ =	shalt  }

</sc_bundles>
